<compile_context>
chip_gen: v7x
topology: tpu7x:2x2x1
jax: 0.10.2.dev20260603
libtpu: 0.0.44.dev20260713+nightly
codegen_flags: <defaults>
</compile_context>

<pallas_src>
import functools

import jax
import jax.numpy as jnp
from jax import lax
from jax.experimental import pallas as pl
from jax.experimental.pallas import tpu as pltpu
from jax.experimental.pallas import tpu_sc as plsc

VOCAB = 8192
DIM = 32
BETA = 0.25
B = 64
PIX = 1024
N = B * PIX


_KC = 2048


def _tc_argmin_body(z_ref, emb_ref, idx_ref, loss_ref):
    zb = z_ref[0]
    em = emb_ref[...]

    zbf = zb.astype(jnp.bfloat16).astype(jnp.float32)

    zsq = zb * zb
    zn = zsq[0:1]
    for c in range(1, DIM):
        zn = zn + zsq[c : c + 1]

    e2 = em * em
    a = e2[:, 0:8] + e2[:, 8:16]
    a = a + e2[:, 16:24]
    a = a + e2[:, 24:32]
    bsum = a[:, 0:4] + a[:, 4:8]
    csum = bsum[:, 0:2] + bsum[:, 2:4]
    en = csum[:, 0:1] + csum[:, 1:2]

    half_v = []
    half_i = []
    for h in range(2):
        hv = jnp.full((PIX,), jnp.inf, jnp.float32)
        hi = jnp.zeros((PIX,), jnp.int32)
        for kk in range(VOCAB // (2 * _KC)):
            k = h * (VOCAB // (2 * _KC)) + kk
            emk = lax.slice(em, (k * _KC, 0), ((k + 1) * _KC, DIM))
            mm = lax.dot_general(
                emk,
                zbf,
                (((1,), (0,)), ((), ())),
                preferred_element_type=jnp.float32,
            )
            enk = lax.slice(en, (k * _KC, 0), ((k + 1) * _KC, 1))
            dist = (zn + enk) - 2.0 * mm
            mv = jnp.min(dist, axis=0)
            mi = jnp.argmin(dist, axis=0).astype(jnp.int32) + jnp.int32(k * _KC)
            better = mv < hv
            hv = jnp.where(better, mv, hv)
            hi = jnp.where(better, mi, hi)
        half_v.append(hv)
        half_i.append(hi)

    u = lax.bitcast_convert_type(half_v[0], jnp.uint32)
    u = (u + jnp.uint32(0x7FFF) + ((u >> 16) & jnp.uint32(1))) & jnp.uint32(0xFFFF0000)
    v0r = lax.bitcast_convert_type(u, jnp.float32)
    take1 = half_v[1] < v0r
    run_idx = jnp.where(take1, half_i[1], half_i[0])
    run_min = jnp.where(take1, half_v[1], half_v[0])

    idx_ref[0, 0, :] = run_idx
    part = jnp.sum(run_min)

    @pl.when(pl.program_id(0) == 0)
    def _init():
        loss_ref[0, 0] = 0.0

    loss_ref[0, 0] += part


def _tc_argmin_call(zr, emb):
    return pl.pallas_call(
        _tc_argmin_body,
        grid=(B,),
        in_specs=[
            pl.BlockSpec((1, DIM, PIX), lambda b: (b, 0, 0)),
            pl.BlockSpec((VOCAB, DIM), lambda b: (0, 0)),
        ],
        out_specs=[
            pl.BlockSpec((1, 1, PIX), lambda b: (b, 0, 0)),
            pl.BlockSpec(
                block_shape=(1, 1),
                index_map=lambda b: (0, 0),
                memory_space=pltpu.SMEM,
            ),
        ],
        out_shape=[
            jax.ShapeDtypeStruct((B, 1, PIX), jnp.int32),
            jax.ShapeDtypeStruct((1, 1), jnp.float32),
        ],
    )(zr, emb)


_NW = 32
_BPW = N // _NW


def _sc_gather_body(emb_hbm, idx_hbm, out_hbm, idx_v, rows_v, sem):
    wid = lax.axis_index("s") * 2 + lax.axis_index("c")
    base = wid * _BPW
    pltpu.sync_copy(idx_hbm.at[pl.ds(base, _BPW)], idx_v)
    pltpu.async_copy(emb_hbm.at[idx_v], rows_v, sem).wait()
    pltpu.sync_copy(rows_v, out_hbm.at[pl.ds(base, _BPW)])


@functools.lru_cache(maxsize=1)
def _sc_gather():
    return functools.partial(
        pl.kernel,
        out_type=jax.ShapeDtypeStruct((N, DIM), jnp.float32),
        mesh=plsc.VectorSubcoreMesh(core_axis_name="c", subcore_axis_name="s"),
        scratch_types=[
            pltpu.VMEM((_BPW,), jnp.int32),
            pltpu.VMEM((_BPW, DIM), jnp.float32),
            pltpu.SemaphoreType.DMA,
        ],
        compiler_params=pltpu.CompilerParams(use_tc_tiling_on_sc=False),
    )(_sc_gather_body)


def kernel(z, emb):
    b, c, h, w = z.shape
    zr = z.reshape(b, c, h * w)
    idx3, loss_acc = _tc_argmin_call(zr, emb)

    idx_flat = idx3.reshape(N)
    zq_flat = _sc_gather()(emb, idx_flat)

    z_q = zq_flat.reshape(b, h, w, c).transpose(0, 3, 1, 2)
    idx_out = idx3.reshape(b, h, w)
    vq_loss = (1.0 + BETA) * loss_acc[0, 0] / float(N * DIM)
    return (z_q, idx_out, vq_loss)

# --- scband reference (transcript-rebuilt; emitter-appended) ---
"""Pipeline reference for scband-vector-quantizer-41068477284657 (READ-ONLY COPY).

The authoritative reference and input builder live on the scoring server;
editing this copy changes nothing except your own understanding.
"""

import jax, jax.numpy as jnp
import numpy as np

VOCAB = 8192
DIM = 32
BETA = 0.25


def setup_inputs(seed: int = 0) -> dict:
    key = jax.random.key(seed)
    k1, k2 = jax.random.split(key)
    z = jax.random.normal(k1, (64, 32, 32, 32), dtype=jnp.float32)
    emb = jax.random.normal(k2, (VOCAB, DIM), dtype=jnp.float32) * 0.02
    return {"z": z, "emb": emb}


def reference(z, emb):
    b, c, h, w = z.shape
    z_flat = jnp.transpose(z, (0, 2, 3, 1)).reshape(-1, c)
    # squared L2 distance to every codebook entry (using_znorm=False path)
    dist = (jnp.sum(z_flat ** 2, axis=1, keepdims=True)
            + jnp.sum(emb ** 2, axis=1)
            - 2.0 * (z_flat @ emb.T))
    idx = jnp.argmin(dist, axis=1)
    z_q = jnp.take(emb, idx, axis=0).reshape(b, h, w, c)
    z_q = jnp.transpose(z_q, (0, 3, 1, 2))
    codebook_loss = jnp.mean((z_q - jax.lax.stop_gradient(z)) ** 2)
    commit_loss = jnp.mean((z - jax.lax.stop_gradient(z_q)) ** 2)
    vq_loss = codebook_loss + BETA * commit_loss
    z_q_out = z + jax.lax.stop_gradient(z_q - z)
    return (z_q_out, idx.reshape(b, h, w), vq_loss)

if __name__ == "__main__":
    import jax
    _d = setup_inputs()
    print(jax.jit(kernel)(*tuple(_d.values())))

</pallas_src>

<mosaic_0001>
#map = affine_map<(d0, d1) -> (0, 0)>
#map1 = affine_map<(d0, d1) -> (0)>
module attributes {stable_mosaic.version = 14 : i64} {
  func.func @_sc_gather_body(%arg0: i32, %arg1: i32, %arg2: memref<8192x32xf32, #tpu.memory_space<hbm>>, %arg3: memref<65536xi32, #tpu.memory_space<hbm>>, %arg4: memref<65536x32xf32, #tpu.memory_space<hbm>>, %arg5: memref<2048xi32, #tpu.memory_space<vmem>>, %arg6: memref<2048x32xf32, #tpu.memory_space<vmem>>, %arg7: memref<!tpu.dma_semaphore, #tpu.memory_space<semaphore_mem>>) attributes {dimension_semantics = [#tpu.dimension_semantics<core_parallel>, #tpu.dimension_semantics<subcore_parallel>], iteration_bounds = array<i64: 2, 16>, scalar_prefetch = 0 : i64, scratch_operands = 3 : i64, tpu.core_type = #tpu.core_type<sc_vector_subcore>, window_params = [{transform_indices = #map}, {transform_indices = #map1}, {transform_indices = #map}]} {
    %mul3A = arith.constant 2 : i32
    %mul3A_0 = arith.muli %arg1, %mul3A : i32
    %add3A = arith.addi %mul3A_0, %arg0 : i32
    %mul3A_1 = arith.constant 2048 : i32
    %mul3A_2 = arith.muli %add3A, %mul3A_1 : i32
    "tpu.region"() ({
      %run_scoped3A = tpu.sem_alloc : memref<!tpu.dma_semaphore, #tpu.memory_space<semaphore_mem>>
      %dma_start3A_7 = tpu.memref_slice %arg3[%mul3A_2] : memref<65536xi32, #tpu.memory_space<hbm>> -> memref<2048xi32, #tpu.memory_space<hbm>>
      %dma_start3A_8 = tpu.memref_slice %arg3[%mul3A_2] : memref<65536xi32, #tpu.memory_space<hbm>> -> memref<2048xi32, #tpu.memory_space<hbm>>
      tpu.enqueue_dma source(%dma_start3A_8 : memref<2048xi32, #tpu.memory_space<hbm>>) target(%arg5 : memref<2048xi32, #tpu.memory_space<vmem>>) target_semaphore(%run_scoped3A : memref<!tpu.dma_semaphore, #tpu.memory_space<semaphore_mem>>)
      %dma_wait3A_9 = tpu.memref_slice %arg3[%mul3A_2] : memref<65536xi32, #tpu.memory_space<hbm>> -> memref<2048xi32, #tpu.memory_space<hbm>>
      %dma_wait3A_10 = tpu.memref_slice %arg3[%mul3A_2] : memref<65536xi32, #tpu.memory_space<hbm>> -> memref<2048xi32, #tpu.memory_space<hbm>>
      tpu.wait_dma2 semaphore(%run_scoped3A : memref<!tpu.dma_semaphore, #tpu.memory_space<semaphore_mem>>) src(%dma_wait3A_10 : memref<2048xi32, #tpu.memory_space<hbm>>) dst(%arg5 : memref<2048xi32, #tpu.memory_space<vmem>>)
      tpu.yield
    }) : () -> ()
    %dma_start3A = arith.constant 0 : i32
    %dma_start3A_3 = arith.constant 0 : i32
    %dma_start3A_4 = tpu.memref_slice %arg2[%dma_start3A, %dma_start3A_3] : memref<8192x32xf32, #tpu.memory_space<hbm>> -> memref<8192x32xf32, #tpu.memory_space<hbm>>
    tpu.enqueue_indirect_dma source(%dma_start3A_4 : memref<8192x32xf32, #tpu.memory_space<hbm>>) target(%arg6 : memref<2048x32xf32, #tpu.memory_space<vmem>>) offsets(%arg5 : memref<2048xi32, #tpu.memory_space<vmem>>) semaphore(%arg7 : memref<!tpu.dma_semaphore, #tpu.memory_space<semaphore_mem>>)
    %dma_wait3A = arith.constant 0 : i32
    %dma_wait3A_5 = arith.constant 0 : i32
    %dma_wait3A_6 = tpu.memref_slice %arg2[%dma_wait3A, %dma_wait3A_5] : memref<8192x32xf32, #tpu.memory_space<hbm>> -> memref<8192x32xf32, #tpu.memory_space<hbm>>
    tpu.wait_indirect_dma semaphore(%arg7 : memref<!tpu.dma_semaphore, #tpu.memory_space<semaphore_mem>>) src(%dma_wait3A_6 : memref<8192x32xf32, #tpu.memory_space<hbm>>) dst(%arg6 : memref<2048x32xf32, #tpu.memory_space<vmem>>)
    "tpu.region"() ({
      %run_scoped3A = tpu.sem_alloc : memref<!tpu.dma_semaphore, #tpu.memory_space<semaphore_mem>>
      %dma_start3A_7 = arith.constant 0 : i32
      %dma_start3A_8 = tpu.memref_slice %arg4[%mul3A_2, %dma_start3A_7] : memref<65536x32xf32, #tpu.memory_space<hbm>> -> memref<2048x32xf32, #tpu.memory_space<hbm>>
      %dma_start3A_9 = arith.constant 0 : i32
      %dma_start3A_10 = tpu.memref_slice %arg4[%mul3A_2, %dma_start3A_9] : memref<65536x32xf32, #tpu.memory_space<hbm>> -> memref<2048x32xf32, #tpu.memory_space<hbm>>
      tpu.enqueue_dma source(%arg6 : memref<2048x32xf32, #tpu.memory_space<vmem>>) target(%dma_start3A_10 : memref<2048x32xf32, #tpu.memory_space<hbm>>) target_semaphore(%run_scoped3A : memref<!tpu.dma_semaphore, #tpu.memory_space<semaphore_mem>>)
      %dma_wait3A_11 = arith.constant 0 : i32
      %dma_wait3A_12 = tpu.memref_slice %arg4[%mul3A_2, %dma_wait3A_11] : memref<65536x32xf32, #tpu.memory_space<hbm>> -> memref<2048x32xf32, #tpu.memory_space<hbm>>
      %dma_wait3A_13 = arith.constant 0 : i32
      %dma_wait3A_14 = tpu.memref_slice %arg4[%mul3A_2, %dma_wait3A_13] : memref<65536x32xf32, #tpu.memory_space<hbm>> -> memref<2048x32xf32, #tpu.memory_space<hbm>>
      tpu.wait_dma2 semaphore(%run_scoped3A : memref<!tpu.dma_semaphore, #tpu.memory_space<semaphore_mem>>) src(%arg6 : memref<2048x32xf32, #tpu.memory_space<vmem>>) dst(%dma_wait3A_14 : memref<2048x32xf32, #tpu.memory_space<hbm>>)
      tpu.yield
    }) : () -> ()
    return
  }
}

module attributes {stable_mosaic.version = 14 : i64} {
  func.func @_tc_argmin_body(%arg0: i32, %arg1: memref<1x32x1024xf32, #tpu.memory_space<vmem>>, %arg2: memref<8192x32xf32, #tpu.memory_space<vmem>>, %arg3: memref<1x1x1024xi32, #tpu.memory_space<vmem>>, %arg4: memref<1x1xf32, #tpu.memory_space<smem>>) attributes {dimension_semantics = [#tpu.dimension_semantics<arbitrary>], iteration_bounds = array<i64: 64>, scalar_prefetch = 0 : i64, scratch_operands = 0 : i64, tpu.core_type = #tpu.core_type<tc>, window_params = [{transform_indices = @transform_0, window_bounds = array<i64: 1, 32, 1024>}, {pipeline_mode = #tpu.pipeline_mode<synchronous>, transform_indices = @transform_1, window_bounds = array<i64: 8192, 32>}, {transform_indices = @transform_2, window_bounds = array<i64: 1, 1, 1024>}, {transform_indices = @transform_3, window_bounds = array<i64: 1, 1>}]} {
    %get3A = arith.constant 0 : index
    %get3A_0 = arith.constant 0 : index
    %get3A_1 = arith.constant 0 : index
    %get3A_2 = vector.load %arg1[%get3A, %get3A_0, %get3A_1] : memref<1x32x1024xf32, #tpu.memory_space<vmem>>, vector<1x32x1024xf32>
    %get3A_3 = vector.shape_cast %get3A_2 : vector<1x32x1024xf32> to vector<32x1024xf32>
    %get3A_4 = arith.constant 0 : index
    %get3A_5 = arith.constant 0 : index
    %get3A_6 = vector.load %arg2[%get3A_4, %get3A_5] : memref<8192x32xf32, #tpu.memory_space<vmem>>, vector<8192x32xf32>
    %convert_element_type3A = arith.truncf %get3A_3 : vector<32x1024xf32> to vector<32x1024xbf16>
    %convert_element_type3A_7 = arith.extf %convert_element_type3A : vector<32x1024xbf16> to vector<32x1024xf32>
    %mul3A = arith.mulf %get3A_3, %get3A_3 : vector<32x1024xf32>
    %slice3A = vector.extract_strided_slice %mul3A {offsets = [0, 0], sizes = [1, 1024], strides = [1, 1]} : vector<32x1024xf32> to vector<1x1024xf32>
    %slice3A_8 = vector.extract_strided_slice %mul3A {offsets = [1, 0], sizes = [1, 1024], strides = [1, 1]} : vector<32x1024xf32> to vector<1x1024xf32>
    %add3A = arith.addf %slice3A, %slice3A_8 : vector<1x1024xf32>
    %slice3A_9 = vector.extract_strided_slice %mul3A {offsets = [2, 0], sizes = [1, 1024], strides = [1, 1]} : vector<32x1024xf32> to vector<1x1024xf32>
    %add3A_10 = arith.addf %add3A, %slice3A_9 : vector<1x1024xf32>
    %slice3A_11 = vector.extract_strided_slice %mul3A {offsets = [3, 0], sizes = [1, 1024], strides = [1, 1]} : vector<32x1024xf32> to vector<1x1024xf32>
    %add3A_12 = arith.addf %add3A_10, %slice3A_11 : vector<1x1024xf32>
    %slice3A_13 = vector.extract_strided_slice %mul3A {offsets = [4, 0], sizes = [1, 1024], strides = [1, 1]} : vector<32x1024xf32> to vector<1x1024xf32>
    %add3A_14 = arith.addf %add3A_12, %slice3A_13 : vector<1x1024xf32>
    %slice3A_15 = vector.extract_strided_slice %mul3A {offsets = [5, 0], sizes = [1, 1024], strides = [1, 1]} : vector<32x1024xf32> to vector<1x1024xf32>
    %add3A_16 = arith.addf %add3A_14, %slice3A_15 : vector<1x1024xf32>
    %slice3A_17 = vector.extract_strided_slice %mul3A {offsets = [6, 0], sizes = [1, 1024], strides = [1, 1]} : vector<32x1024xf32> to vector<1x1024xf32>
    %add3A_18 = arith.addf %add3A_16, %slice3A_17 : vector<1x1024xf32>
    %slice3A_19 = vector.extract_strided_slice %mul3A {offsets = [7, 0], sizes = [1, 1024], strides = [1, 1]} : vector<32x1024xf32> to vector<1x1024xf32>
    %add3A_20 = arith.addf %add3A_18, %slice3A_19 : vector<1x1024xf32>
    %slice3A_21 = vector.extract_strided_slice %mul3A {offsets = [8, 0], sizes = [1, 1024], strides = [1, 1]} : vector<32x1024xf32> to vector<1x1024xf32>
    %add3A_22 = arith.addf %add3A_20, %slice3A_21 : vector<1x1024xf32>
    %slice3A_23 = vector.extract_strided_slice %mul3A {offsets = [9, 0], sizes = [1, 1024], strides = [1, 1]} : vector<32x1024xf32> to vector<1x1024xf32>
    %add3A_24 = arith.addf %add3A_22, %slice3A_23 : vector<1x1024xf32>
    %slice3A_25 = vector.extract_strided_slice %mul3A {offsets = [10, 0], sizes = [1, 1024], strides = [1, 1]} : vector<32x1024xf32> to vector<1x1024xf32>
    %add3A_26 = arith.addf %add3A_24, %slice3A_25 : vector<1x1024xf32>
    %slice3A_27 = vector.extract_strided_slice %mul3A {offsets = [11, 0], sizes = [1, 1024], strides = [1, 1]} : vector<32x1024xf32> to vector<1x1024xf32>
    %add3A_28 = arith.addf %add3A_26, %slice3A_27 : vector<1x1024xf32>
    %slice3A_29 = vector.extract_strided_slice %mul3A {offsets = [12, 0], sizes = [1, 1024], strides = [1, 1]} : vector<32x1024xf32> to vector<1x1024xf32>
    %add3A_30 = arith.addf %add3A_28, %slice3A_29 : vector<1x1024xf32>
    %slice3A_31 = vector.extract_strided_slice %mul3A {offsets = [13, 0], sizes = [1, 1024], strides = [1, 1]} : vector<32x1024xf32> to vector<1x1024xf32>
    %add3A_32 = arith.addf %add3A_30, %slice3A_31 : vector<1x1024xf32>
    %slice3A_33 = vector.extract_strided_slice %mul3A {offsets = [14, 0], sizes = [1, 1024], strides = [1, 1]} : vector<32x1024xf32> to vector<1x1024xf32>
    %add3A_34 = arith.addf %add3A_32, %slice3A_33 : vector<1x1024xf32>
    %slice3A_35 = vector.extract_strided_slice %mul3A {offsets = [15, 0], sizes = [1, 1024], strides = [1, 1]} : vector<32x1024xf32> to vector<1x1024xf32>
    %add3A_36 = arith.addf %add3A_34, %slice3A_35 : vector<1x1024xf32>
    %slice3A_37 = vector.extract_strided_slice %mul3A {offsets = [16, 0], sizes = [1, 1024], strides = [1, 1]} : vector<32x1024xf32> to vector<1x1024xf32>
    %add3A_38 = arith.addf %add3A_36, %slice3A_37 : vector<1x1024xf32>
    %slice3A_39 = vector.extract_strided_slice %mul3A {offsets = [17, 0], sizes = [1, 1024], strides = [1, 1]} : vector<32x1024xf32> to vector<1x1024xf32>
    %add3A_40 = arith.addf %add3A_38, %slice3A_39 : vector<1x1024xf32>
    %slice3A_41 = vector.extract_strided_slice %mul3A {offsets = [18, 0], sizes = [1, 1024], strides = [1, 1]} : vector<32x1024xf32> to vector<1x1024xf32>
    %add3A_42 = arith.addf %add3A_40, %slice3A_41 : vector<1x1024xf32>
    %slice3A_43 = vector.extract_strided_slice %mul3A {offsets = [19, 0], sizes = [1, 1024], strides = [1, 1]} : vector<32x1024xf32> to vector<1x1024xf32>
    %add3A_44 = arith.addf %add3A_42, %slice3A_43 : vector<1x1024xf32>
    %slice3A_45 = vector.extract_strided_slice %mul3A {offsets = [20, 0], sizes = [1, 1024], strides = [1, 1]} : vector<32x1024xf32> to vector<1x1024xf32>
    %add3A_46 = arith.addf %add3A_44, %slice3A_45 : vector<1x1024xf32>
    %slice3A_47 = vector.extract_strided_slice %mul3A {offsets = [21, 0], sizes = [1, 1024], strides = [1, 1]} : vector<32x1024xf32> to vector<1x1024xf32>
    %add3A_48 = arith.addf %add3A_46, %slice3A_47 : vector<1x1024xf32>
    %slice3A_49 = vector.extract_strided_slice %mul3A {offsets = [22, 0], sizes = [1, 1024], strides = [1, 1]} : vector<32x1024xf32> to vector<1x1024xf32>
    %add3A_50 = arith.addf %add3A_48, %slice3A_49 : vector<1x1024xf32>
    %slice3A_51 = vector.extract_strided_slice %mul3A {offsets = [23, 0], sizes = [1, 1024], strides = [1, 1]} : vector<32x1024xf32> to vector<1x1024xf32>
    %add3A_52 = arith.addf %add3A_50, %slice3A_51 : vector<1x1024xf32>
    %slice3A_53 = vector.extract_strided_slice %mul3A {offsets = [24, 0], sizes = [1, 1024], strides = [1, 1]} : vector<32x1024xf32> to vector<1x1024xf32>
    %add3A_54 = arith.addf %add3A_52, %slice3A_53 : vector<1x1024xf32>
    %slice3A_55 = vector.extract_strided_slice %mul3A {offsets = [25, 0], sizes = [1, 1024], strides = [1, 1]} : vector<32x1024xf32> to vector<1x1024xf32>
    %add3A_56 = arith.addf %add3A_54, %slice3A_55 : vector<1x1024xf32>
    %slice3A_57 = vector.extract_strided_slice %mul3A {offsets = [26, 0], sizes = [1, 1024], strides = [1, 1]} : vector<32x1024xf32> to vector<1x1024xf32>
    %add3A_58 = arith.addf %add3A_56, %slice3A_57 : vector<1x1024xf32>
    %slice3A_59 = vector.extract_strided_slice %mul3A {offsets = [27, 0], sizes = [1, 1024], strides = [1, 1]} : vector<32x1024xf32> to vector<1x1024xf32>
    %add3A_60 = arith.addf %add3A_58, %slice3A_59 : vector<1x1024xf32>
    %slice3A_61 = vector.extract_strided_slice %mul3A {offsets = [28, 0], sizes = [1, 1024], strides = [1, 1]} : vector<32x1024xf32> to vector<1x1024xf32>
    %add3A_62 = arith.addf %add3A_60, %slice3A_61 : vector<1x1024xf32>
    %slice3A_63 = vector.extract_strided_slice %mul3A {offsets = [29, 0], sizes = [1, 1024], strides = [1, 1]} : vector<32x1024xf32> to vector<1x1024xf32>
    %add3A_64 = arith.addf %add3A_62, %slice3A_63 : vector<1x1024xf32>
    %slice3A_65 = vector.extract_strided_slice %mul3A {offsets = [30, 0], sizes = [1, 1024], strides = [1, 1]} : vector<32x1024xf32> to vector<1x1024xf32>
    %add3A_66 = arith.addf %add3A_64, %slice3A_65 : vector<1x1024xf32>
    %slice3A_67 = vector.extract_strided_slice %mul3A {offsets = [31, 0], sizes = [1, 1024], strides = [1, 1]} : vector<32x1024xf32> to vector<1x1024xf32>
    %add3A_68 = arith.addf %add3A_66, %slice3A_67 : vector<1x1024xf32>
    %mul3A_69 = arith.mulf %get3A_6, %get3A_6 : vector<8192x32xf32>
    %slice3A_70 = vector.extract_strided_slice %mul3A_69 {offsets = [0, 0], sizes = [8192, 8], strides = [1, 1]} : vector<8192x32xf32> to vector<8192x8xf32>
    %slice3A_71 = vector.extract_strided_slice %mul3A_69 {offsets = [0, 8], sizes = [8192, 8], strides = [1, 1]} : vector<8192x32xf32> to vector<8192x8xf32>
    %add3A_72 = arith.addf %slice3A_70, %slice3A_71 : vector<8192x8xf32>
    %slice3A_73 = vector.extract_strided_slice %mul3A_69 {offsets = [0, 16], sizes = [8192, 8], strides = [1, 1]} : vector<8192x32xf32> to vector<8192x8xf32>
    %add3A_74 = arith.addf %add3A_72, %slice3A_73 : vector<8192x8xf32>
    %slice3A_75 = vector.extract_strided_slice %mul3A_69 {offsets = [0, 24], sizes = [8192, 8], strides = [1, 1]} : vector<8192x32xf32> to vector<8192x8xf32>
    %add3A_76 = arith.addf %add3A_74, %slice3A_75 : vector<8192x8xf32>
    %slice3A_77 = vector.extract_strided_slice %add3A_76 {offsets = [0, 0], sizes = [8192, 4], strides = [1, 1]} : vector<8192x8xf32> to vector<8192x4xf32>
    %slice3A_78 = vector.extract_strided_slice %add3A_76 {offsets = [0, 4], sizes = [8192, 4], strides = [1, 1]} : vector<8192x8xf32> to vector<8192x4xf32>
    %add3A_79 = arith.addf %slice3A_77, %slice3A_78 : vector<8192x4xf32>
    %slice3A_80 = vector.extract_strided_slice %add3A_79 {offsets = [0, 0], sizes = [8192, 2], strides = [1, 1]} : vector<8192x4xf32> to vector<8192x2xf32>
    %slice3A_81 = vector.extract_strided_slice %add3A_79 {offsets = [0, 2], sizes = [8192, 2], strides = [1, 1]} : vector<8192x4xf32> to vector<8192x2xf32>
    %add3A_82 = arith.addf %slice3A_80, %slice3A_81 : vector<8192x2xf32>
    %slice3A_83 = vector.extract_strided_slice %add3A_82 {offsets = [0, 0], sizes = [8192, 1], strides = [1, 1]} : vector<8192x2xf32> to vector<8192x1xf32>
    %slice3A_84 = vector.extract_strided_slice %add3A_82 {offsets = [0, 1], sizes = [8192, 1], strides = [1, 1]} : vector<8192x2xf32> to vector<8192x1xf32>
    %add3A_85 = arith.addf %slice3A_83, %slice3A_84 : vector<8192x1xf32>
    %broadcast_in_dim3A = arith.constant 0x7F800000 : f32
    %broadcast_in_dim3A_86 = vector.broadcast %broadcast_in_dim3A : f32 to vector<1024xf32>
    %broadcast_in_dim3A_87 = arith.constant 0 : i32
    %broadcast_in_dim3A_88 = vector.broadcast %broadcast_in_dim3A_87 : i32 to vector<1024xi32>
    %slice3A_89 = vector.extract_strided_slice %get3A_6 {offsets = [0, 0], sizes = [2048, 32], strides = [1, 1]} : vector<8192x32xf32> to vector<2048x32xf32>
    %dot_general3A = arith.constant dense<0.000000e+00> : vector<2048x1024xf32>
    %dot_general3A_90 = tpu.matmul %slice3A_89, %convert_element_type3A_7, %dot_general3A {dimension_numbers = #tpu.dot_dimension_numbers<[1], [0], [0], [1], [0, 0, 1, 1], [], []>, transpose_lhs_hint = false} : vector<2048x32xf32>, vector<32x1024xf32>, vector<2048x1024xf32> -> vector<2048x1024xf32>
    %slice3A_91 = vector.extract_strided_slice %add3A_85 {offsets = [0, 0], sizes = [2048, 1], strides = [1, 1]} : vector<8192x1xf32> to vector<2048x1xf32>
    %add3A_92 = vector.broadcast %add3A_68 : vector<1x1024xf32> to vector<2048x1024xf32>
    %add3A_93 = vector.broadcast %slice3A_91 : vector<2048x1xf32> to vector<2048x1024xf32>
    %add3A_94 = arith.addf %add3A_92, %add3A_93 : vector<2048x1024xf32>
    %mul3A_95 = arith.constant 2.000000e+00 : f32
    %mul3A_96 = vector.broadcast %mul3A_95 : f32 to vector<2048x1024xf32>
    %mul3A_97 = arith.mulf %mul3A_96, %dot_general3A_90 : vector<2048x1024xf32>
    %sub3A = arith.subf %add3A_94, %mul3A_97 : vector<2048x1024xf32>
    %reduce_min3A = arith.constant dense<0x7F800000> : vector<1024xf32>
    %reduce_min3A_98 = vector.multi_reduction <minimumf>, %sub3A, %reduce_min3A [0] : vector<2048x1024xf32> to vector<1024xf32>
    %argmin3A = tpu.reduce_index %sub3A {axis = 0 : i32, kind = #tpu.reduction_kind<arg_min>} : vector<2048x1024xf32> -> vector<1024xi32>
    %add3A_99 = arith.constant 0 : i32
    %add3A_100 = vector.broadcast %add3A_99 : i32 to vector<1024xi32>
    %add3A_101 = arith.addi %argmin3A, %add3A_100 : vector<1024xi32>
    %lt3A = arith.cmpf olt, %reduce_min3A_98, %broadcast_in_dim3A_86 : vector<1024xf32>
    %select_n3A = arith.select %lt3A, %reduce_min3A_98, %broadcast_in_dim3A_86 : vector<1024xi1>, vector<1024xf32>
    %select_n3A_102 = arith.select %lt3A, %add3A_101, %broadcast_in_dim3A_88 : vector<1024xi1>, vector<1024xi32>
    %slice3A_103 = vector.extract_strided_slice %get3A_6 {offsets = [2048, 0], sizes = [2048, 32], strides = [1, 1]} : vector<8192x32xf32> to vector<2048x32xf32>
    %dot_general3A_104 = arith.constant dense<0.000000e+00> : vector<2048x1024xf32>
    %dot_general3A_105 = tpu.matmul %slice3A_103, %convert_element_type3A_7, %dot_general3A_104 {dimension_numbers = #tpu.dot_dimension_numbers<[1], [0], [0], [1], [0, 0, 1, 1], [], []>, transpose_lhs_hint = false} : vector<2048x32xf32>, vector<32x1024xf32>, vector<2048x1024xf32> -> vector<2048x1024xf32>
    %slice3A_106 = vector.extract_strided_slice %add3A_85 {offsets = [2048, 0], sizes = [2048, 1], strides = [1, 1]} : vector<8192x1xf32> to vector<2048x1xf32>
    %add3A_107 = vector.broadcast %add3A_68 : vector<1x1024xf32> to vector<2048x1024xf32>
    %add3A_108 = vector.broadcast %slice3A_106 : vector<2048x1xf32> to vector<2048x1024xf32>
    %add3A_109 = arith.addf %add3A_107, %add3A_108 : vector<2048x1024xf32>
    %mul3A_110 = arith.constant 2.000000e+00 : f32
    %mul3A_111 = vector.broadcast %mul3A_110 : f32 to vector<2048x1024xf32>
    %mul3A_112 = arith.mulf %mul3A_111, %dot_general3A_105 : vector<2048x1024xf32>
    %sub3A_113 = arith.subf %add3A_109, %mul3A_112 : vector<2048x1024xf32>
    %reduce_min3A_114 = arith.constant dense<0x7F800000> : vector<1024xf32>
    %reduce_min3A_115 = vector.multi_reduction <minimumf>, %sub3A_113, %reduce_min3A_114 [0] : vector<2048x1024xf32> to vector<1024xf32>
    %argmin3A_116 = tpu.reduce_index %sub3A_113 {axis = 0 : i32, kind = #tpu.reduction_kind<arg_min>} : vector<2048x1024xf32> -> vector<1024xi32>
    %add3A_117 = arith.constant 2048 : i32
    %add3A_118 = vector.broadcast %add3A_117 : i32 to vector<1024xi32>
    %add3A_119 = arith.addi %argmin3A_116, %add3A_118 : vector<1024xi32>
    %lt3A_120 = arith.cmpf olt, %reduce_min3A_115, %select_n3A : vector<1024xf32>
    %select_n3A_121 = arith.select %lt3A_120, %reduce_min3A_115, %select_n3A : vector<1024xi1>, vector<1024xf32>
    %select_n3A_122 = arith.select %lt3A_120, %add3A_119, %select_n3A_102 : vector<1024xi1>, vector<1024xi32>
    %broadcast_in_dim3A_123 = arith.constant 0x7F800000 : f32
    %broadcast_in_dim3A_124 = vector.broadcast %broadcast_in_dim3A_123 : f32 to vector<1024xf32>
    %broadcast_in_dim3A_125 = arith.constant 0 : i32
    %broadcast_in_dim3A_126 = vector.broadcast %broadcast_in_dim3A_125 : i32 to vector<1024xi32>
    %slice3A_127 = vector.extract_strided_slice %get3A_6 {offsets = [4096, 0], sizes = [2048, 32], strides = [1, 1]} : vector<8192x32xf32> to vector<2048x32xf32>
    %dot_general3A_128 = arith.constant dense<0.000000e+00> : vector<2048x1024xf32>
    %dot_general3A_129 = tpu.matmul %slice3A_127, %convert_element_type3A_7, %dot_general3A_128 {dimension_numbers = #tpu.dot_dimension_numbers<[1], [0], [0], [1], [0, 0, 1, 1], [], []>, transpose_lhs_hint = false} : vector<2048x32xf32>, vector<32x1024xf32>, vector<2048x1024xf32> -> vector<2048x1024xf32>
    %slice3A_130 = vector.extract_strided_slice %add3A_85 {offsets = [4096, 0], sizes = [2048, 1], strides = [1, 1]} : vector<8192x1xf32> to vector<2048x1xf32>
    %add3A_131 = vector.broadcast %add3A_68 : vector<1x1024xf32> to vector<2048x1024xf32>
    %add3A_132 = vector.broadcast %slice3A_130 : vector<2048x1xf32> to vector<2048x1024xf32>
    %add3A_133 = arith.addf %add3A_131, %add3A_132 : vector<2048x1024xf32>
    %mul3A_134 = arith.constant 2.000000e+00 : f32
    %mul3A_135 = vector.broadcast %mul3A_134 : f32 to vector<2048x1024xf32>
    %mul3A_136 = arith.mulf %mul3A_135, %dot_general3A_129 : vector<2048x1024xf32>
    %sub3A_137 = arith.subf %add3A_133, %mul3A_136 : vector<2048x1024xf32>
    %reduce_min3A_138 = arith.constant dense<0x7F800000> : vector<1024xf32>
    %reduce_min3A_139 = vector.multi_reduction <minimumf>, %sub3A_137, %reduce_min3A_138 [0] : vector<2048x1024xf32> to vector<1024xf32>
    %argmin3A_140 = tpu.reduce_index %sub3A_137 {axis = 0 : i32, kind = #tpu.reduction_kind<arg_min>} : vector<2048x1024xf32> -> vector<1024xi32>
    %add3A_141 = arith.constant 4096 : i32
    %add3A_142 = vector.broadcast %add3A_141 : i32 to vector<1024xi32>
    %add3A_143 = arith.addi %argmin3A_140, %add3A_142 : vector<1024xi32>
    %lt3A_144 = arith.cmpf olt, %reduce_min3A_139, %broadcast_in_dim3A_124 : vector<1024xf32>
    %select_n3A_145 = arith.select %lt3A_144, %reduce_min3A_139, %broadcast_in_dim3A_124 : vector<1024xi1>, vector<1024xf32>
    %select_n3A_146 = arith.select %lt3A_144, %add3A_143, %broadcast_in_dim3A_126 : vector<1024xi1>, vector<1024xi32>
    %slice3A_147 = vector.extract_strided_slice %get3A_6 {offsets = [6144, 0], sizes = [2048, 32], strides = [1, 1]} : vector<8192x32xf32> to vector<2048x32xf32>
    %dot_general3A_148 = arith.constant dense<0.000000e+00> : vector<2048x1024xf32>
    %dot_general3A_149 = tpu.matmul %slice3A_147, %convert_element_type3A_7, %dot_general3A_148 {dimension_numbers = #tpu.dot_dimension_numbers<[1], [0], [0], [1], [0, 0, 1, 1], [], []>, transpose_lhs_hint = false} : vector<2048x32xf32>, vector<32x1024xf32>, vector<2048x1024xf32> -> vector<2048x1024xf32>
    %slice3A_150 = vector.extract_strided_slice %add3A_85 {offsets = [6144, 0], sizes = [2048, 1], strides = [1, 1]} : vector<8192x1xf32> to vector<2048x1xf32>
    %add3A_151 = vector.broadcast %add3A_68 : vector<1x1024xf32> to vector<2048x1024xf32>
    %add3A_152 = vector.broadcast %slice3A_150 : vector<2048x1xf32> to vector<2048x1024xf32>
    %add3A_153 = arith.addf %add3A_151, %add3A_152 : vector<2048x1024xf32>
    %mul3A_154 = arith.constant 2.000000e+00 : f32
    %mul3A_155 = vector.broadcast %mul3A_154 : f32 to vector<2048x1024xf32>
    %mul3A_156 = arith.mulf %mul3A_155, %dot_general3A_149 : vector<2048x1024xf32>
    %sub3A_157 = arith.subf %add3A_153, %mul3A_156 : vector<2048x1024xf32>
    %reduce_min3A_158 = arith.constant dense<0x7F800000> : vector<1024xf32>
    %reduce_min3A_159 = vector.multi_reduction <minimumf>, %sub3A_157, %reduce_min3A_158 [0] : vector<2048x1024xf32> to vector<1024xf32>
    %argmin3A_160 = tpu.reduce_index %sub3A_157 {axis = 0 : i32, kind = #tpu.reduction_kind<arg_min>} : vector<2048x1024xf32> -> vector<1024xi32>
    %add3A_161 = arith.constant 6144 : i32
    %add3A_162 = vector.broadcast %add3A_161 : i32 to vector<1024xi32>
    %add3A_163 = arith.addi %argmin3A_160, %add3A_162 : vector<1024xi32>
    %lt3A_164 = arith.cmpf olt, %reduce_min3A_159, %select_n3A_145 : vector<1024xf32>
    %select_n3A_165 = arith.select %lt3A_164, %reduce_min3A_159, %select_n3A_145 : vector<1024xi1>, vector<1024xf32>
    %select_n3A_166 = arith.select %lt3A_164, %add3A_163, %select_n3A_146 : vector<1024xi1>, vector<1024xi32>
    %bitcast_convert_type3A = tpu.bitcast %select_n3A_121 : vector<1024xf32> -> vector<1024xi32>
    %add3A_167 = arith.constant 32767 : i32
    %add3A_168 = vector.broadcast %add3A_167 : i32 to vector<1024xi32>
    %add3A_169 = arith.addi %bitcast_convert_type3A, %add3A_168 : vector<1024xi32>
    %shift_right_logical3A = arith.constant 16 : i32
    %shift_right_logical3A_170 = vector.broadcast %shift_right_logical3A : i32 to vector<1024xi32>
    %shift_right_logical3A_171 = arith.shrui %bitcast_convert_type3A, %shift_right_logical3A_170 : vector<1024xi32>
    %and3A = arith.constant 1 : i32
    %and3A_172 = vector.broadcast %and3A : i32 to vector<1024xi32>
    %and3A_173 = arith.andi %shift_right_logical3A_171, %and3A_172 : vector<1024xi32>
    %add3A_174 = arith.addi %add3A_169, %and3A_173 : vector<1024xi32>
    %and3A_175 = arith.constant -65536 : i32
    %and3A_176 = vector.broadcast %and3A_175 : i32 to vector<1024xi32>
    %and3A_177 = arith.andi %add3A_174, %and3A_176 : vector<1024xi32>
    %bitcast_convert_type3A_178 = tpu.bitcast %and3A_177 : vector<1024xi32> -> vector<1024xf32>
    %lt3A_179 = arith.cmpf olt, %select_n3A_165, %bitcast_convert_type3A_178 : vector<1024xf32>
    %select_n3A_180 = arith.select %lt3A_179, %select_n3A_166, %select_n3A_122 : vector<1024xi1>, vector<1024xi32>
    %select_n3A_181 = arith.select %lt3A_179, %select_n3A_165, %select_n3A_121 : vector<1024xi1>, vector<1024xf32>
    %swap3A = arith.constant 0 : index
    %swap3A_182 = arith.constant 0 : index
    %swap3A_183 = arith.constant 0 : index
    %swap3A_184 = vector.load %arg3[%swap3A, %swap3A_182, %swap3A_183] : memref<1x1x1024xi32, #tpu.memory_space<vmem>>, vector<1x1x1024xi32>
    %swap3A_185 = vector.shape_cast %swap3A_184 : vector<1x1x1024xi32> to vector<1024xi32>
    %swap3A_186 = vector.shape_cast %select_n3A_180 : vector<1024xi32> to vector<1x1x1024xi32>
    tpu.vector_store %arg3[%swap3A, %swap3A_182, %swap3A_183], %swap3A_186 {strides = array<i32>} : memref<1x1x1024xi32, #tpu.memory_space<vmem>>, vector<1x1x1024xi32>,
    %reduce_sum3A = vector.shape_cast %select_n3A_181 : vector<1024xf32> to vector<1x1024xf32>
    %reduce_sum3A_187 = arith.constant dense<0.000000e+00> : vector<1xf32>
    %reduce_sum3A_188 = vector.multi_reduction <add>, %reduce_sum3A, %reduce_sum3A_187 [1] : vector<1x1024xf32> to vector<1xf32>
    %reduce_sum3A_189 = vector.shape_cast %reduce_sum3A_188 : vector<1xf32> to vector<1x1xf32>
    %reduce_sum3A_190 = vector.extract %reduce_sum3A_189[0, 0] : f32 from vector<1x1xf32>
    %eq3A = arith.constant 0 : i32
    %eq3A_191 = arith.cmpi eq, %arg0, %eq3A : i32
    %convert_element_type3A_192 = arith.extui %eq3A_191 : i1 to i32
    %cond3A = arith.constant 0 : i32
    %cond3A_193 = arith.cmpi ne, %convert_element_type3A_192, %cond3A : i32
    scf.if %cond3A_193 {
      %swap3A_201 = arith.constant 0.000000e+00 : f32
      %swap3A_202 = arith.constant 0 : index
      %swap3A_203 = arith.constant 0 : index
      %swap3A_204 = memref.load %arg4[%swap3A_202, %swap3A_203] : memref<1x1xf32, #tpu.memory_space<smem>>
      memref.store %swap3A_201, %arg4[%swap3A_202, %swap3A_203] : memref<1x1xf32, #tpu.memory_space<smem>>
    } else {
    }
    %get3A_194 = arith.constant 0 : index
    %get3A_195 = arith.constant 0 : index
    %get3A_196 = memref.load %arg4[%get3A_194, %get3A_195] : memref<1x1xf32, #tpu.memory_space<smem>>
    %add3A_197 = arith.addf %get3A_196, %reduce_sum3A_190 : f32
    %swap3A_198 = arith.constant 0 : index
    %swap3A_199 = arith.constant 0 : index
    %swap3A_200 = memref.load %arg4[%swap3A_198, %swap3A_199] : memref<1x1xf32, #tpu.memory_space<smem>>
    memref.store %add3A_197, %arg4[%swap3A_198, %swap3A_199] : memref<1x1xf32, #tpu.memory_space<smem>>
    return
  }
  func.func @transform_0(%arg0: i32) -> (i32, i32, i32) {
    %c0_i32 = arith.constant 0 : i32
    %c0_i32_0 = arith.constant 0 : i32
    %c0_i32_1 = arith.constant 0 : i32
    return %arg0, %c0_i32, %c0_i32_0 : i32, i32, i32
  }
  func.func @transform_1(%arg0: i32) -> (i32, i32) {
    %c0_i32 = arith.constant 0 : i32
    %c0_i32_0 = arith.constant 0 : i32
    %c0_i32_1 = arith.constant 0 : i32
    return %c0_i32, %c0_i32_0 : i32, i32
  }
  func.func @transform_2(%arg0: i32) -> (i32, i32, i32) {
    %c0_i32 = arith.constant 0 : i32
    %c0_i32_0 = arith.constant 0 : i32
    %c0_i32_1 = arith.constant 0 : i32
    return %arg0, %c0_i32, %c0_i32_0 : i32, i32, i32
  }
  func.func @transform_3(%arg0: i32) -> (i32, i32) {
    %c0_i32 = arith.constant 0 : i32
    %c0_i32_0 = arith.constant 0 : i32
    %c0_i32_1 = arith.constant 0 : i32
    return %c0_i32, %c0_i32_0 : i32, i32
  }
}

</mosaic_0001>

<sc_bundles>
// kernel: kernel.4.cloned.1.call-start
scs
__scs_entry_jumppad:
0x0: {  	(pc) =	sbr.rel $0x88, $3  }
0x1: {  	(tag) =	ssettag $0x0;
	lr =	simm.s32 $0x1  }
0x2: {  	[smem:$0x3F9F] =	sst lr;
	_ =	strace $0xD0000000  }
0x3: {  	_ = 	snop  }
0x4: {  	_ = 	snop  }
0x5: {  	_ = 	snop  }
0x6: {  	_ = 	snop  }
0x7: {  	_ = 	snop  }
__scs_overlays_trampoline_lowered:
0x8: {  	[smem:$0x3FAE] =	sst s0  }
0x9: {  	[smem:$0x3FAF] =	sst s1  }
0xa: {  	[smem:$0x3FB0] =	sst s2  }
0xb: {  	[smem:$0x3FB1] =	sst s3  }
0xc: {  	[smem:$0x3FB2] =	sst s4  }
0xd: {  	[smem:$0x3FB3] =	sst s5  }
0xe: {  	[smem:$0x3FB4] =	sst s6  }
0xf: {  	[smem:$0x3FB5] =	sst s7  }
0x10: {  	[smem:$0x3FB6] =	sst s8  }
0x11: {  	[smem:$0x3FB7] =	sst s9;
	s0 =	simm.s32 @!p0 $0x0  }
0x12: {  	s1 =	sld [smem:$0x3F9D];
	s0 =	simm.s32 @p0 $0x1  }
0x13: {  	[smem:$0x3FB8] =	sst s0;
	s0 =	simm.s32 @!p1 $0x0  }
0x14: {  	s2 =	sld [smem:$0x3F9C];
	s0 =	simm.s32 @p1 $0x1  }
0x15: {  	[smem:$0x3FB9] =	sst s0;
	s0 =	simm.s32 @!p2 $0x0  }
0x16: {  	s3 =	sld [smem:$0x3FDB];
	s0 =	simm.s32 @p2 $0x1  }
0x17: {  	s4 =	simm.s32 $0x1BF5;
	[smem:$0x3FBB] =	sst s0  }
0x18: {  	s0 =	sld [smem:$0x3F9E];
	_ =	swait.ge [sflag:s4], $0x0  }
0x19: {  	s7 =	sld [smem:$0x3F9F]  }
0x1a: {  	s8 =	sadd.s32 $0xFFFFE003, lr  }
0x1b: {  	s9 =	sadd.s32 $0xFFFFFEF7, lr;
	s5 =	simm.s32 $0xFFFFFFFF;
	p2 =	slt.u32 s8, $0xFFFFF086  }
0x1c: {  	p1 =	slt.u32 s9, $0xF7A;
	s5 =	simm.s32 @!p2 $0x0  }
0x1d: {  	s5 =	simm.s32 @p1 $0x1;
	p0 =	seq.s32 s7, s2  }
0x1e: {  	s7 =	smul.u32 @!p0 $0xF7A, s2;
	p2 =	seq.s32 @!p0 s5, $0x0  }
0x1f: {  	s9 =	smul.u32 $0xF7A, s1;
	s8 =	simm.s32 @!p0 $0x1BF5;
	p2 =	por !p2, p0  }
0x20: {  	[sflag:s8] =	ssyncset.s32 @!p0 $0xFFFFF086;
	s6 =	sadd.s32 @!p0 s3, s7;
	s7 =	simm.s32 @!p0 $0x108  }
0x21: {  	s3 =	sadd.s32 s3, s9;
	s6 =	sadd.s32 @!p0 $0x88, s6;
	s7 =	simm.s32 @p2 $0x1082  }
0x22: {  	[simem:s7], [sflag:s8] =	dma.local @!p0 [hbm:s6], $0xF7A  }
0x23: {  	s9 =	sor.u32 $0xD0000000, s2;
	s6 =	simm.s32 $0x108;
	_ =	swait.ge @!p0 [sflag:s8], $0x0  }
0x24: {  	s3 =	sadd.s32 $0x88, s3;
	s6 =	simm.s32 @!p1 $0x1082;
	[sflag:s4] =	ssyncset.s32 $0xFFFFF086  }
0x25: {  	[simem:s6], [sflag:s4] =	dma.local [hbm:s3], $0xF7A  }
0x26: {  	[smem:$0x3F9F] =	sst s1;
	(tag) =	ssettag s2;
	_ =	strace s9  }
0x27: {  	s1 =	sld [smem:$0x3FAF]  }
0x28: {  	s2 =	sld [smem:$0x3FB0]  }
0x29: {  	s4 =	sld [smem:$0x3FB2]  }
0x2a: {  	p0 =	seq.s32 s5, $0x0;
	s5 =	sld [smem:$0x3FB3]  }
0x2b: {  	s6 =	sld [smem:$0x3FB4]  }
0x2c: {  	s7 =	sld [smem:$0x3FB5]  }
0x2d: {  	s3 =	simm.s32 $0x108;
	s8 =	sld [smem:$0x3FB6]  }
0x2e: {  	s3 =	simm.s32 @!p0 $0x1082;
	s9 =	sld [smem:$0x3FB7]  }
0x2f: {  	lr =	sadd.s32 s0, s3;
	s0 =	sld [smem:$0x3FAE]  }
0x30: {  	s3 =	sld [smem:$0x3FB1]  }
0x31: {  	[smem:$0x3FBA] =	sst s10  }
0x32: {  	s10 =	sld [smem:$0x3FB8];
	_ =	sdelay $0x3  }
0x33: {  	p0 =	seq.s32 s10, $0x1;
	s10 =	sld [smem:$0x3FBA];
	_ =	sdelay $0x3  }
0x34: {  	[smem:$0x3FBA] =	sst s10  }
0x35: {  	s10 =	sld [smem:$0x3FB9];
	_ =	sdelay $0x3  }
0x36: {  	p1 =	seq.s32 s10, $0x1;
	s10 =	sld [smem:$0x3FBA];
	_ =	sdelay $0x3  }
0x37: {  	[smem:$0x3FBA] =	sst s10  }
0x38: {  	s10 =	sld [smem:$0x3FBB]  }
0x39: {  	_ = 	snop;
	(pc) =	sbr.ind lr, $3  }
0x3a: {  	_ = 	snop  }
0x3b: {  	_ = 	snop  }
0x3c: {  	p2 =	seq.s32 s10, $0x1;
	s10 =	sld [smem:$0x3FBA]  }
0x3d: {  	_ =	shalt  }
0x3e: {  	_ =	shalt  }
0x3f: {  	_ =	shalt  }
0x40: {  	_ =	shalt  }
0x41: {  	_ =	shalt  }
0x42: {  	_ =	shalt  }
0x43: {  	_ =	shalt  }
0x44: {  	_ =	shalt  }
0x45: {  	_ =	shalt  }
0x46: {  	_ =	shalt  }
0x47: {  	_ =	shalt  }
0x48: {  	_ =	shalt  }
0x49: {  	_ =	shalt  }
0x4a: {  	_ =	shalt  }
0x4b: {  	_ =	shalt  }
0x4c: {  	_ =	shalt  }
0x4d: {  	_ =	shalt  }
0x4e: {  	_ =	shalt  }
0x4f: {  	_ =	shalt  }
0x50: {  	_ =	shalt  }
0x51: {  	_ =	shalt  }
0x52: {  	_ =	shalt  }
0x53: {  	_ =	shalt  }
0x54: {  	_ =	shalt  }
0x55: {  	_ =	shalt  }
0x56: {  	_ =	shalt  }
0x57: {  	_ =	shalt  }
0x58: {  	_ =	shalt  }
0x59: {  	_ =	shalt  }
0x5a: {  	_ =	shalt  }
0x5b: {  	_ =	shalt  }
0x5c: {  	_ =	shalt  }
0x5d: {  	_ =	shalt  }
0x5e: {  	_ =	shalt  }
0x5f: {  	_ =	shalt  }
0x60: {  	_ =	shalt  }
0x61: {  	_ =	shalt  }
0x62: {  	_ =	shalt  }
0x63: {  	_ =	shalt  }
0x64: {  	_ =	shalt  }
0x65: {  	_ =	shalt  }
0x66: {  	_ =	shalt  }
0x67: {  	_ =	shalt  }
0x68: {  	_ =	shalt  }
0x69: {  	_ =	shalt  }
0x6a: {  	_ =	shalt  }
0x6b: {  	_ =	shalt  }
0x6c: {  	_ =	shalt  }
0x6d: {  	_ =	shalt  }
0x6e: {  	_ =	shalt  }
0x6f: {  	_ =	shalt  }
0x70: {  	_ =	shalt  }
0x71: {  	_ =	shalt  }
0x72: {  	_ =	shalt  }
0x73: {  	_ =	shalt  }
0x74: {  	_ =	shalt  }
0x75: {  	_ =	shalt  }
0x76: {  	_ =	shalt  }
0x77: {  	_ =	shalt  }
0x78: {  	_ =	shalt  }
0x79: {  	_ =	shalt  }
0x7a: {  	_ =	shalt  }
0x7b: {  	_ =	shalt  }
0x7c: {  	_ =	shalt  }
0x7d: {  	_ =	shalt  }
0x7e: {  	_ =	shalt  }
0x7f: {  	_ =	shalt  }
0x80: {  	_ =	shalt  }
0x81: {  	_ =	shalt  }
0x82: {  	_ =	shalt  }
0x83: {  	_ =	shalt  }
0x84: {  	_ =	shalt  }
0x85: {  	_ =	shalt  }
0x86: {  	_ =	shalt  }
0x87: {  	_ =	shalt  }
.Lfunc_end0:
.L_simem_size_0:
called_computation_lowered:
.L_overlay_start_0:
0x88: {  	s2 =	sld [smem:$0x3FD9]  }
0x89: {  	s3 =	sld [smem:$0x3FFE];
	_ =	sdelay $0x1  }
0x8a: {  	s1 =	srdreg.scid  }
0x8b: {  	s0 =	sand.u32 $0x1, s1  }
0x8c: {  	s14 =	sshll.u32 s0, $0xA;
	s2 =	sadd.s32 s3, s2  }
0x8d: {  	s2 =	sadd.s32 s2, s14  }
0x8e: {  	[smem:$0x3FC6] =	sst s2  }
0x8f: {  	_ = 	snop  }
0x90: {  	s2 =	sld [smem:$0x3FD0];
	_ =	sdelay $0x2  }
0x91: {  	s15 =	simm.s32 $0xA;
	s4 =	simm.s32 $0x10  }
0x92: {  	[smem:s4], [sflag:s15] =	dma.local [hbm:s2], $0x1  }
0x93: {  	_ =	swait.eq [sflag:s15], $0x1  }
0x94: {  	[sflag:s15] =	ssyncset.done $0x0  }
0x95: {  	[sflag:s15] =	ssyncadd.s32 $0xFFFFFFFF  }
0x96: {  	s16 =	sld [smem:$0x10];
	(tm) =	ssettm $0x1  }
0x97: {  	s17 =	sld [smem:$0x3FFB];
	_ =	sdelay $0x3  }
0x98: {  	_ =	strace s17  }
0x99: {  	s3 =	sld [smem:$0x3FFC];
	_ =	sdelay $0x3  }
0x9a: {  	_ =	strace s3  }
0x9b: {  	s3 =	sld [smem:$0x3FFD];
	_ =	sdelay $0x3  }
0x9c: {  	_ =	strace s3  }
0x9d: {  	_ =	strace $0x8FFFFFFF  }
0x9e: {  	s18 =	sld [smem:$0x3FDB];
	_ =	sdelay $0x1  }
0x9f: {  	s19 =	simm.s32 $_scs_section_size  }
0xa0: {  	s5 =	simm.s32 $_size__tile_overlayer_lowered;
	s6 =	simm.s32 $_tile_overlayer_lowered  }
0xa1: {  	s22 =	simm.s32 $0x1BFF;
	s21 =	sshll.u32 s6, $0x1;
	s3 =	sadd.s32 s19, s18  }
0xa2: {  	s7 =	simm.s32 $0x0;
	s20 =	sshll.u32 s5, $0x1;
	s5 =	sadd.s32 s21, s3  }
0xa3: {  	[timem:s7], [sflag:s22] =	dma.local [hbm:s5], s20  }
0xa4: {  	_ =	swait.ge [sflag:s22], s20  }
0xa5: {  	s4 =	ssub.s32 $0x0, s20;
	[sflag:s22] =	ssyncset.done $0x0  }
0xa6: {  	[sflag:s22] =	ssyncadd.s32 s4;
	_ =	sdelay $0x1  }
0xa7: {  	s23 =	simm.s32 $0x1B8B  }
0xa8: {  	_ =	swait.ge [sflag:s23], $0x1  }
0xa9: {  	[sflag:s23] =	ssyncset.done $0x0  }
0xaa: {  	s25 =	simm.s32 $0x1B8E;
	s24 =	sld [smem:$0x3FFE];
	[sflag:s23] =	ssyncadd.s32 $0xFFFFFFFF  }
0xab: {  	s26 =	simm.s32 $execute0_lowered;
	[smem:$0x3FD2] =	sst s25  }
0xac: {  	s5 =	sshll.u32 s26, $0x1;
	_ =	strace $0x80000046;
	[dreg:$0x1] =	wrdreg $0xFFFFFFFF  }
0xad: {  	s28 =	simm.s32 $_size_execute0_lowered;
	s3 =	sadd.s32 s3, s5;
	[dreg:$0x0] =	wrdreg $0x0  }
0xae: {  	s5 =	sshll.u32 s28, $0x1;
	[dreg:$0x2] =	wrdreg s3  }
0xaf: {  	[dreg:$0x3] =	wrdreg s5  }
0xb0: {  	[dreg:$0x4] =	wrdreg $0xC0  }
0xb1: {  	_ =	task [dreg:s7], $0x5FFFF  }
0xb2: {  	[dreg:$0x1] =	wrdreg $0xFFFFFFFF  }
0xb3: {  	[dreg:$0x0] =	wrdreg $0x60  }
0xb4: {  	[dreg:$0x2] =	wrdreg s24  }
0xb5: {  	[dreg:$0x3] =	wrdreg s16  }
0xb6: {  	[dreg:$0x4] =	wrdreg $0x9  }
0xb7: {  	_ =	task.clear_ibuf [dreg:s7], $0x5FFFF;
	_ =	strace $0x90000046  }
0xb8: {  	s29 =	simm.s32 $0x9;
	_ =	strace $0x80000048  }
0xb9: {  	_ =	swait.ge [sflag:s29], $0x1  }
0xba: {  	[sflag:s29] =	ssyncadd.s32 $0xFFFFFFFF  }
0xbb: {  	_ =	strace $0x90000048  }
0xbc: {  	_ =	sfence  }
0xbd: {  	s30 =	sld [smem:$0x0];
	_ =	sdelay $0x2  }
0xbe: {  	s31 =	sshll.u32 s1, $0xD;
	s1 =	sshrl.u32 s1, $0x2  }
0xbf: {  	s3 =	sand.u32 $0x4000, s31;
	s1 =	sadd.s32 s1, s30  }
0xc0: {  	s0 =	sor.u32 s3, s0;
	s1 =	sshll.u32 s1, $0x11  }
0xc1: {  	s0 =	sor.u32 s1, s0  }
0xc2: {  	s0 =	sadd.s32 $0x8F2B, s0  }
0xc3: {  	[sflag:s0] =	ssyncadd.remote.s32 $0x1  }
0xc4: {  	_ =	sfence.sel $0xFFFF  }
0xc5: {  	[dreg:$0x0] =	wrdreg $0xFFFFFFFF;
	(pc) =	sbr.abs _section_cstart, $3  }
0xc6: {  	[dreg:$0x1] =	wrdreg $0xFFFFFFFF  }
0xc7: {  	_ =	task.clear_ibuf [dreg:s7], $0x2FFFF;
	_ =	strace $0x9FFFFFFF  }
0xc8: {  	(tm) =	ssettm $0x7FFFFFFF  }
0xc9: {  	_ =	shalt  }
tec
execute0_lowered:
.L_overlay_start_1:
0x0: {  	(tag) =	ssettag $0x1  }
0x1: {  	s1 =	srdreg.scid  }
0x2: {  	s0 =	stileid.u32;
	s6 =	sand.u32 $0x1, s1  }
0x3: {  	s5 =	rddreg [dreg:$0x0];
	s30 =	sshll.u32 s0, $0xC;
	s2 =	sshll.u32 s6, $0xB  }
0x4: {  	s8 =	rddreg [dreg:$0x1];
	s9 =	sor.u32 s2, s30  }
0x5: {  	s1 =	rddreg [dreg:$0x2];
	s2 =	simm.s32 $0x0;
	s3 =	sshrl.u32 s9, $0x3  }
0x6: {  	s10 =	ssub.s32 $0x2, s6;
	[smem:$0x7FF] =	sst s2;
	s3 =	sadd.s32 s3, s5  }
0x7: {  	_ =	strace $0x80000047;
	s4 =	sadd.s32 $0x8A00, s3;
	s3 =	simm.s32 $0x2  }
0x8: {  	[tilespmem:s2], [sflag:$0x2] =	stream.linear.gather [hbm4b:s4+s2], $0x800, $0x38;
	[tilespmem:$0x10800] =	vst v63  }
0x9: {  	s7 =	simm.s32 $0x1;
	s11 =	sshrl.u32 s10, $0x1;
	_ =	swait.ge [sflag:s3], $0x800  }
0xa: {  	s6 =	simm.s32 $0x800;
	s10 =	ssub.s32 s10, s11;
	[sflag:s3] =	ssyncset.done $0x0  }
0xb: {  	s5 =	sadd.s32 $0xA00, s5;
	s31 =	smax.u32 s10, $0x1;
	[sflag:s3] =	ssyncadd.s32 $0xFFFFF800  }
0xc: {  	[tilespmem:s6], [sflag:$0x1] =	stream.indirect.gather [hbm4b:s5+s6], $0x20, s2, s6, $0xb8;
	[tilespmem:$0x10800] =	vst v63  }
0xd: {  	p0 =	sne.s32 s31, $0x1;
	_ =	swait.ge [sflag:s7], $0x10000  }
.Ltmp0:
0xe: {  	s9 =	sshll.u32 s9, $0x2;
	[sflag:s7] =	ssyncset.done $0x0;
	(pc) =	sbr.rel @!p0 .LBB2_2-.Ltmp0, $4  }
0xf: {  	s8 =	sadd.s32 s8, s9;
	[sflag:s7] =	ssyncadd.s32 $0xFFFF0000  }
0x10: {  	[hbm4b:s8+s2] =	stream.linear.scatter [tilespmem:s6], [sflag:$0x2], $0x10000, $0x38;
	[tilespmem:$0x10800] =	vst v63  }
0x11: {  	_ =	swait.ge [sflag:s3], $0x10000  }
0x12: {  	s9 =	sadd.s32 $0xFFFFFFFF, s31;
	[sflag:s3] =	ssyncset.done $0x0  }
.LBB2_1:
0x13: {  	p0 =	sne.s32 s9, $0x1;
	s9 =	sadd.s32 $0xFFFFFFFF, s9;
	[sflag:s3] =	ssyncadd.s32 $0xFFFF0000  }
0x14: {  	[tilespmem:s2], [sflag:$0x2] =	stream.linear.gather [hbm4b:s4+s2], $0x800, $0x38;
	[tilespmem:$0x10800] =	vst v63  }
0x15: {  	_ =	swait.ge [sflag:s3], $0x800  }
0x16: {  	[sflag:s3] =	ssyncset.done $0x0  }
0x17: {  	[sflag:s3] =	ssyncadd.s32 $0xFFFFF800  }
0x18: {  	[tilespmem:s6], [sflag:$0x1] =	stream.indirect.gather [hbm4b:s5+s6], $0x20, s2, s6, $0xb8;
	[tilespmem:$0x10800] =	vst v63  }
0x19: {  	_ =	swait.ge [sflag:s7], $0x10000  }
.Ltmp1:
0x1a: {  	[sflag:s7] =	ssyncset.done $0x0;
	(pc) =	sbr.rel @p0 .LBB2_1-.Ltmp1, $4  }
0x1b: {  	[sflag:s7] =	ssyncadd.s32 $0xFFFF0000  }
0x1c: {  	[hbm4b:s8+s2] =	stream.linear.scatter [tilespmem:s6], [sflag:$0x2], $0x10000, $0x38;
	[tilespmem:$0x10800] =	vst v63  }
0x1d: {  	_ =	swait.ge [sflag:s3], $0x10000  }
0x1e: {  	[sflag:s3] =	ssyncset.done $0x0  }
.LBB2_2:
0x1f: {  	[sflag:s3] =	ssyncadd.s32 $0xFFFF0000  }
0x20: {  	_ =	sfence.sel $0x180000  }
0x21: {  	[bflag:$0x0] =	sbarrier.arrive $0xFFFF  }
0x22: {  	p0 =	sne.s32 s0, $0x0;
	_ =	strace $0x90000047  }
0x23: {  	s0 =	sadd.s32 @!p0 $0x100000, s1;
	[bflag:$0x2] =	sbarrier.arrive $0xFFFF  }
0x24: {  	[sflag:s0] =	ssyncadd.tile.s32 @!p0 $0x1;
	_ =	shalt  }
.Lfunc_end2:
_tile_overlayer_lowered:
.L_overlay_start_2:
0x25: {  	(tag) =	ssettag $0x2  }
0x26: {  	s0 =	rddreg [dreg:$0x0];
	s2 =	stileid.u32  }
0x27: {  	s1 =	rddreg [dreg:$0x1];
	p0 =	sne.s32 s2, $0x0  }
0x28: {  	s3 =	rddreg [dreg:$0x2];
	[bflag:$0x3] =	sbarrier.arrive $0xFFFF;
	s2 =	simm.s32 @!p0 $0x1C02  }
0x29: {  	[timem:s3], [sflag:s2] =	dma.local @!p0 [hbm:s0], s1  }
0x2a: {  	s0 =	simm.s32 @!p0 $0x2  }
0x2b: {  	_ =	swait.ge @!p0 [sflag:s0], s1  }
0x2c: {  	s1 =	ssub.s32 @!p0 $0x0, s1;
	[sflag:s0] =	ssyncset.done @!p0 $0x0  }
0x2d: {  	[sflag:s0] =	ssyncadd.s32 @!p0 s1  }
0x2e: {  	[bflag:$0x3] =	sbarrier.arrive $0xFFFF  }
0x2f: {  	_ =	shalt  }

</sc_bundles>
